<compile_context>
chip_gen: v7x
topology: tpu7x:2x2x1
jax: 0.10.2.dev20260603
libtpu: 0.0.44.dev20260713+nightly
codegen_flags: <defaults>
</compile_context>

<pallas_src>
import functools

import jax
import jax.numpy as jnp
from jax import lax
from jax.experimental import pallas as pl
from jax.experimental.pallas import tpu as pltpu
from jax.experimental.pallas import tpu_sc as plsc

VOCAB_NUM = 100000
SEQ = 4096
BATCH = 16
TOTAL = 32768
HALF = SEQ // 2
LANES = 16
CHUNKS = HALF // LANES
WIN = HALF + 8
BASE_MAX = TOTAL - WIN
REM_MAX = TOTAL + HALF - BASE_MAX
BUF = ((REM_MAX + HALF + 15) // 16) * 16


def _body(flat_hbm, cu_hbm, out_hbm, cu_v, buf_v, row_v):
    c = lax.axis_index("c")
    s = lax.axis_index("s")
    wid = c * 16 + s
    b = wid // 2
    h = wid % 2

    pltpu.sync_copy(cu_hbm, cu_v.at[pl.ds(0, BATCH + 1)])

    v = cu_v[pl.ds(b, LANES)]
    start = v[0]
    end = v[1]
    seg_len = jnp.minimum(end - start, SEQ)

    src0 = start + h * HALF
    base = jnp.minimum(jnp.bitwise_and(src0, jnp.int32(-8)),
                       jnp.int32(BASE_MAX))
    base = pl.multiple_of(base, 8)
    rem = src0 - base

    pltpu.sync_copy(flat_hbm.at[pl.ds(base, WIN)], buf_v.at[pl.ds(0, WIN)])

    col0 = h * HALF
    lanes = lax.iota(jnp.int32, LANES)

    UNROLL = 2
    inv_v = jnp.float32(1.0 / VOCAB_NUM)
    voc = jnp.int32(VOCAB_NUM)

    def step(k0, _):
        for j in range(UNROLL):
            k = k0 * UNROLL + j
            chunk = buf_v[pl.ds(rem + k * LANES, LANES)]
            q = (chunk.astype(jnp.float32) * inv_v).astype(jnp.int32)
            r = chunk - q * voc
            r = jnp.where(r < 0, r + voc, r)
            hashed = jnp.where(r >= voc, r - voc, r)
            col = col0 + k * LANES + lanes
            row_v[pl.ds(k * LANES, LANES)] = jnp.where(col < seg_len, hashed, 0)
        return _

    lax.fori_loop(0, CHUNKS // UNROLL, step, None)

    pltpu.sync_copy(row_v, out_hbm.at[pl.ds(b * SEQ + col0, HALF)])


@functools.cache
def _get_packer():
    mesh = plsc.VectorSubcoreMesh(core_axis_name="c", subcore_axis_name="s")
    return functools.partial(
        pl.kernel,
        out_type=jax.ShapeDtypeStruct((BATCH * SEQ,), jnp.int32),
        mesh=mesh,
        scratch_types=[
            pltpu.VMEM((2 * LANES,), jnp.int32),
            pltpu.VMEM((BUF,), jnp.int32),
            pltpu.VMEM((HALF,), jnp.int32),
        ],
    )(_body)


def kernel(flat, cu_seqlens):
    out_dtype = flat.dtype
    out = _get_packer()(flat.astype(jnp.int32),
                        cu_seqlens.astype(jnp.int32))
    return out.reshape(BATCH, SEQ).astype(out_dtype)

# --- scband reference (transcript-rebuilt; emitter-appended) ---
"""Pipeline reference for scband-input-layer-53506702574207 (READ-ONLY COPY).

The authoritative reference and input builder live on the scoring server;
editing this copy changes nothing except your own understanding.
"""

import jax, jax.numpy as jnp
import numpy as np

VOCAB_NUM = 100000
SEQUENCE_LENGTH = 4096
BATCH = 16
TOTAL_TOKENS = 32768


def setup_inputs(seed: int = 0) -> dict:
    key = jax.random.key(seed)
    k1, k2 = jax.random.split(key)
    # flat token stream: stand-in for the string tokens; values get hashed into
    # [0, vocab_num) inside the layer (tf.strings.to_hash_bucket -> mod here).
    flat = jax.random.randint(k1, (TOTAL_TOKENS,), 0, 1000000, dtype=jnp.int64)
    # ragged row-split offsets (cu_seqlens): sorted, starts at 0, ends at total_tokens
    inner = jnp.sort(jax.random.randint(k2, (BATCH - 1,), 0, TOTAL_TOKENS + 1))
    cu_seqlens = jnp.concatenate([
        jnp.zeros((1,), dtype=jnp.int32),
        inner.astype(jnp.int32),
        jnp.full((1,), TOTAL_TOKENS, dtype=jnp.int32),
    ])
    return {"flat": flat, "cu_seqlens": cu_seqlens}


def reference(flat, cu_seqlens):
    # Faithful translation of InputLayer.call:
    #   split -> (tokens already split into flat ragged stream)
    #   to_hash_bucket -> mod vocab_num
    #   ragged.to_tensor(default=0) + from_tensor(lengths=[seq_len]*B) + to_tensor
    #     == pad each row with 0 up to sequence_length, truncate longer rows.
    B = cu_seqlens.shape[0] - 1
    total = flat.shape[0]
    hashed = jnp.mod(flat, VOCAB_NUM)
    idx = jnp.arange(total)
    # segment id of each flat token (searchsorted handles empty segments)
    seg = jnp.searchsorted(cu_seqlens, idx, side="right") - 1
    seg = jnp.clip(seg, 0, B - 1)
    pos = idx - cu_seqlens[seg]
    valid = pos < SEQUENCE_LENGTH
    # redirect truncated tokens to a dummy row that is sliced off
    row = jnp.where(valid, seg, B)
    col = jnp.where(valid, pos, 0)
    dense = jnp.zeros((B + 1, SEQUENCE_LENGTH), dtype=flat.dtype)
    dense = dense.at[row, col].set(hashed)
    return dense[:B]

if __name__ == "__main__":
    import jax
    _d = setup_inputs()
    print(jax.jit(kernel)(*tuple(_d.values())))

</pallas_src>

<mosaic_0001>
#map = affine_map<(d0, d1) -> (0)>
module attributes {stable_mosaic.version = 14 : i64} {
  func.func @_body(%arg0: i32, %arg1: i32, %arg2: memref<32768xi32, #tpu.memory_space<hbm>>, %arg3: memref<17xi32, #tpu.memory_space<hbm>>, %arg4: memref<65536xi32, #tpu.memory_space<hbm>>, %arg5: memref<32xi32, #tpu.memory_space<vmem>>, %arg6: memref<6160xi32, #tpu.memory_space<vmem>>, %arg7: memref<2048xi32, #tpu.memory_space<vmem>>) attributes {dimension_semantics = [#tpu.dimension_semantics<core_parallel>, #tpu.dimension_semantics<subcore_parallel>], iteration_bounds = array<i64: 2, 16>, scalar_prefetch = 0 : i64, scratch_operands = 3 : i64, tpu.core_type = #tpu.core_type<sc_vector_subcore>, window_params = [{transform_indices = #map}, {transform_indices = #map}, {transform_indices = #map}]} {
    %mul3A = arith.constant 16 : i32
    %mul3A_0 = arith.muli %arg0, %mul3A : i32
    %add3A = arith.addi %mul3A_0, %arg1 : i32
    %jit3A = arith.constant 2 : i32
    %div3A = arith.divsi %add3A, %jit3A : i32
    %sign3A = arith.constant 0 : i32
    %sign3A_1 = arith.cmpi sgt, %add3A, %sign3A : i32
    %sign3A_2 = arith.extui %sign3A_1 : i1 to i32
    %sign3A_3 = arith.constant 0 : i32
    %sign3A_4 = arith.cmpi slt, %add3A, %sign3A_3 : i32
    %sign3A_5 = arith.extui %sign3A_4 : i1 to i32
    %sign3A_6 = arith.subi %sign3A_2, %sign3A_5 : i32
    %sign3A_7 = arith.constant 0 : i32
    %sign3A_8 = arith.cmpi sgt, %jit3A, %sign3A_7 : i32
    %sign3A_9 = arith.extui %sign3A_8 : i1 to i32
    %sign3A_10 = arith.constant 0 : i32
    %sign3A_11 = arith.cmpi slt, %jit3A, %sign3A_10 : i32
    %sign3A_12 = arith.extui %sign3A_11 : i1 to i32
    %sign3A_13 = arith.subi %sign3A_9, %sign3A_12 : i32
    %ne3A = arith.cmpi ne, %sign3A_6, %sign3A_13 : i32
    %rem3A = arith.remsi %add3A, %jit3A : i32
    %ne3A_14 = arith.constant 0 : i32
    %ne3A_15 = arith.cmpi ne, %rem3A, %ne3A_14 : i32
    %and3A = arith.andi %ne3A, %ne3A_15 : i1
    %sub3A = arith.constant 1 : i32
    %sub3A_16 = arith.subi %div3A, %sub3A : i32
    %select_n3A = arith.select %and3A, %sub3A_16, %div3A : i32
    %jit3A_17 = arith.constant 2 : i32
    %eq3A = arith.constant 0 : i32
    %eq3A_18 = arith.cmpi eq, %jit3A_17, %eq3A : i32
    %jit3A_19 = arith.constant 1 : i32
    %select_n3A_20 = arith.select %eq3A_18, %jit3A_19, %jit3A_17 : i32
    %rem3A_21 = arith.remsi %add3A, %select_n3A_20 : i32
    %ne3A_22 = arith.constant 0 : i32
    %ne3A_23 = arith.cmpi ne, %rem3A_21, %ne3A_22 : i32
    %lt3A = arith.constant 0 : i32
    %lt3A_24 = arith.cmpi slt, %rem3A_21, %lt3A : i32
    %lt3A_25 = arith.constant 0 : i32
    %lt3A_26 = arith.cmpi slt, %select_n3A_20, %lt3A_25 : i32
    %ne3A_27 = arith.xori %lt3A_24, %lt3A_26 : i1
    %and3A_28 = arith.andi %ne3A_27, %ne3A_23 : i1
    %add3A_29 = arith.addi %rem3A_21, %select_n3A_20 : i32
    %select_n3A_30 = arith.select %and3A_28, %add3A_29, %rem3A_21 : i32
    "tpu.region"() ({
      %run_scoped3A = tpu.sem_alloc : memref<!tpu.dma_semaphore, #tpu.memory_space<semaphore_mem>>
      %dma_start3A = arith.constant 0 : i32
      %dma_start3A_56 = tpu.memref_slice %arg5[%dma_start3A] : memref<32xi32, #tpu.memory_space<vmem>> -> memref<17xi32, #tpu.memory_space<vmem>>
      %dma_start3A_57 = arith.constant 0 : i32
      %dma_start3A_58 = tpu.memref_slice %arg5[%dma_start3A_57] : memref<32xi32, #tpu.memory_space<vmem>> -> memref<17xi32, #tpu.memory_space<vmem>>
      tpu.enqueue_dma source(%arg3 : memref<17xi32, #tpu.memory_space<hbm>>) target(%dma_start3A_58 : memref<17xi32, #tpu.memory_space<vmem>>) target_semaphore(%run_scoped3A : memref<!tpu.dma_semaphore, #tpu.memory_space<semaphore_mem>>)
      %dma_wait3A = arith.constant 0 : i32
      %dma_wait3A_59 = tpu.memref_slice %arg5[%dma_wait3A] : memref<32xi32, #tpu.memory_space<vmem>> -> memref<17xi32, #tpu.memory_space<vmem>>
      %dma_wait3A_60 = arith.constant 0 : i32
      %dma_wait3A_61 = tpu.memref_slice %arg5[%dma_wait3A_60] : memref<32xi32, #tpu.memory_space<vmem>> -> memref<17xi32, #tpu.memory_space<vmem>>
      tpu.wait_dma2 semaphore(%run_scoped3A : memref<!tpu.dma_semaphore, #tpu.memory_space<semaphore_mem>>) src(%arg3 : memref<17xi32, #tpu.memory_space<hbm>>) dst(%dma_wait3A_61 : memref<17xi32, #tpu.memory_space<vmem>>)
      tpu.yield
    }) : () -> ()
    %get3A = arith.index_cast %select_n3A : i32 to index
    %get3A_31 = tpu.vector_load %arg5[%get3A] {strides = array<i32>} : memref<32xi32, #tpu.memory_space<vmem>>, vector<16xi32>,
    %get3A_32 = vector.shape_cast %get3A_31 : vector<16xi32> to vector<16xi32>
    %slice3A = vector.extract_strided_slice %get3A_32 {offsets = [0], sizes = [1], strides = [1]} : vector<16xi32> to vector<1xi32>
    %squeeze3A = vector.extract %slice3A[0] : i32 from vector<1xi32>
    %slice3A_33 = vector.extract_strided_slice %get3A_32 {offsets = [1], sizes = [1], strides = [1]} : vector<16xi32> to vector<1xi32>
    %squeeze3A_34 = vector.extract %slice3A_33[0] : i32 from vector<1xi32>
    %sub3A_35 = arith.subi %squeeze3A_34, %squeeze3A : i32
    %min3A = arith.constant 4096 : i32
    %min3A_36 = arith.minsi %sub3A_35, %min3A : i32
    %mul3A_37 = arith.constant 2048 : i32
    %mul3A_38 = arith.muli %select_n3A_30, %mul3A_37 : i32
    %add3A_39 = arith.addi %squeeze3A, %mul3A_38 : i32
    %and3A_40 = arith.constant -8 : i32
    %and3A_41 = arith.andi %add3A_39, %and3A_40 : i32
    %min3A_42 = arith.constant 30712 : i32
    %min3A_43 = arith.minsi %and3A_41, %min3A_42 : i32
    %multiple_of3A = tpu.assume_multiple %min3A_43, 8 : i32
    %sub3A_44 = arith.subi %add3A_39, %multiple_of3A : i32
    "tpu.region"() ({
      %run_scoped3A = tpu.sem_alloc : memref<!tpu.dma_semaphore, #tpu.memory_space<semaphore_mem>>
      %dma_start3A = arith.constant 0 : i32
      %dma_start3A_56 = tpu.memref_slice %arg6[%dma_start3A] : memref<6160xi32, #tpu.memory_space<vmem>> -> memref<2056xi32, #tpu.memory_space<vmem>>
      %dma_start3A_57 = tpu.memref_slice %arg2[%multiple_of3A] : memref<32768xi32, #tpu.memory_space<hbm>> -> memref<2056xi32, #tpu.memory_space<hbm>>
      %dma_start3A_58 = arith.constant 0 : i32
      %dma_start3A_59 = tpu.memref_slice %arg6[%dma_start3A_58] : memref<6160xi32, #tpu.memory_space<vmem>> -> memref<2056xi32, #tpu.memory_space<vmem>>
      %dma_start3A_60 = tpu.memref_slice %arg2[%multiple_of3A] : memref<32768xi32, #tpu.memory_space<hbm>> -> memref<2056xi32, #tpu.memory_space<hbm>>
      tpu.enqueue_dma source(%dma_start3A_60 : memref<2056xi32, #tpu.memory_space<hbm>>) target(%dma_start3A_59 : memref<2056xi32, #tpu.memory_space<vmem>>) target_semaphore(%run_scoped3A : memref<!tpu.dma_semaphore, #tpu.memory_space<semaphore_mem>>)
      %dma_wait3A = arith.constant 0 : i32
      %dma_wait3A_61 = tpu.memref_slice %arg6[%dma_wait3A] : memref<6160xi32, #tpu.memory_space<vmem>> -> memref<2056xi32, #tpu.memory_space<vmem>>
      %dma_wait3A_62 = tpu.memref_slice %arg2[%multiple_of3A] : memref<32768xi32, #tpu.memory_space<hbm>> -> memref<2056xi32, #tpu.memory_space<hbm>>
      %dma_wait3A_63 = arith.constant 0 : i32
      %dma_wait3A_64 = tpu.memref_slice %arg6[%dma_wait3A_63] : memref<6160xi32, #tpu.memory_space<vmem>> -> memref<2056xi32, #tpu.memory_space<vmem>>
      %dma_wait3A_65 = tpu.memref_slice %arg2[%multiple_of3A] : memref<32768xi32, #tpu.memory_space<hbm>> -> memref<2056xi32, #tpu.memory_space<hbm>>
      tpu.wait_dma2 semaphore(%run_scoped3A : memref<!tpu.dma_semaphore, #tpu.memory_space<semaphore_mem>>) src(%dma_wait3A_65 : memref<2056xi32, #tpu.memory_space<hbm>>) dst(%dma_wait3A_64 : memref<2056xi32, #tpu.memory_space<vmem>>)
      tpu.yield
    }) : () -> ()
    %mul3A_45 = arith.constant 2048 : i32
    %mul3A_46 = arith.muli %select_n3A_30, %mul3A_45 : i32
    %iota3A = tpu.iota {dimensions = array<i32: 0>} : vector<16xi32>
    %scan3A = arith.constant 9.99999974E-6 : f32
    %scan3A_47 = arith.constant 100000 : i32
    %scan3A_48 = arith.constant 0 : i32
    %scan3A_49 = arith.constant 64 : i32
    %scan3A_50 = arith.addi %scan3A_48, %scan3A_49 : i32
    %scan3A_51 = arith.constant 1 : i32
    scf.for %scan3A_56 = %scan3A_48 to %scan3A_50 step %scan3A_51  : i32 {
      %mul3A_57 = arith.constant 2 : i32
      %mul3A_58 = arith.muli %scan3A_56, %mul3A_57 : i32
      %add3A_59 = arith.constant 0 : i32
      %add3A_60 = arith.addi %mul3A_58, %add3A_59 : i32
      %mul3A_61 = arith.constant 16 : i32
      %mul3A_62 = arith.muli %add3A_60, %mul3A_61 : i32
      %add3A_63 = arith.addi %sub3A_44, %mul3A_62 : i32
      %get3A_64 = arith.index_cast %add3A_63 : i32 to index
      %get3A_65 = tpu.vector_load %arg6[%get3A_64] {strides = array<i32>} : memref<6160xi32, #tpu.memory_space<vmem>>, vector<16xi32>,
      %get3A_66 = vector.shape_cast %get3A_65 : vector<16xi32> to vector<16xi32>
      %convert_element_type3A = arith.sitofp %get3A_66 : vector<16xi32> to vector<16xf32>
      %mul3A_67 = vector.broadcast %scan3A : f32 to vector<16xf32>
      %mul3A_68 = arith.mulf %convert_element_type3A, %mul3A_67 : vector<16xf32>
      %convert_element_type3A_69 = arith.fptosi %mul3A_68 : vector<16xf32> to vector<16xi32>
      %mul3A_70 = vector.broadcast %scan3A_47 : i32 to vector<16xi32>
      %mul3A_71 = arith.muli %convert_element_type3A_69, %mul3A_70 : vector<16xi32>
      %sub3A_72 = arith.subi %get3A_66, %mul3A_71 : vector<16xi32>
      %lt3A_73 = arith.constant 0 : i32
      %lt3A_74 = vector.broadcast %lt3A_73 : i32 to vector<16xi32>
      %lt3A_75 = arith.cmpi slt, %sub3A_72, %lt3A_74 : vector<16xi32>
      %add3A_76 = vector.broadcast %scan3A_47 : i32 to vector<16xi32>
      %add3A_77 = arith.addi %sub3A_72, %add3A_76 : vector<16xi32>
      %select_n3A_78 = arith.select %lt3A_75, %add3A_77, %sub3A_72 : vector<16xi1>, vector<16xi32>
      %ge3A = vector.broadcast %scan3A_47 : i32 to vector<16xi32>
      %ge3A_79 = arith.cmpi sge, %select_n3A_78, %ge3A : vector<16xi32>
      %sub3A_80 = vector.broadcast %scan3A_47 : i32 to vector<16xi32>
      %sub3A_81 = arith.subi %select_n3A_78, %sub3A_80 : vector<16xi32>
      %select_n3A_82 = arith.select %ge3A_79, %sub3A_81, %select_n3A_78 : vector<16xi1>, vector<16xi32>
      %mul3A_83 = arith.constant 16 : i32
      %mul3A_84 = arith.muli %add3A_60, %mul3A_83 : i32
      %add3A_85 = arith.addi %mul3A_46, %mul3A_84 : i32
      %add3A_86 = vector.broadcast %add3A_85 : i32 to vector<16xi32>
      %add3A_87 = arith.addi %add3A_86, %iota3A : vector<16xi32>
      %lt3A_88 = vector.broadcast %min3A_36 : i32 to vector<16xi32>
      %lt3A_89 = arith.cmpi slt, %add3A_87, %lt3A_88 : vector<16xi32>
      %jit3A_90 = arith.constant 0 : i32
      %broadcast_in_dim3A = vector.broadcast %jit3A_90 : i32 to vector<16xi32>
      %select_n3A_91 = arith.select %lt3A_89, %select_n3A_82, %broadcast_in_dim3A : vector<16xi1>, vector<16xi32>
      %mul3A_92 = arith.constant 16 : i32
      %mul3A_93 = arith.muli %add3A_60, %mul3A_92 : i32
      %swap3A = arith.index_cast %mul3A_93 : i32 to index
      %swap3A_94 = tpu.vector_load %arg7[%swap3A] {strides = array<i32>} : memref<2048xi32, #tpu.memory_space<vmem>>, vector<16xi32>,
      %swap3A_95 = vector.shape_cast %swap3A_94 : vector<16xi32> to vector<16xi32>
      %swap3A_96 = vector.shape_cast %select_n3A_91 : vector<16xi32> to vector<16xi32>
      tpu.vector_store %arg7[%swap3A], %swap3A_96 {strides = array<i32>} : memref<2048xi32, #tpu.memory_space<vmem>>, vector<16xi32>,
      %mul3A_97 = arith.constant 2 : i32
      %mul3A_98 = arith.muli %scan3A_56, %mul3A_97 : i32
      %add3A_99 = arith.constant 1 : i32
      %add3A_100 = arith.addi %mul3A_98, %add3A_99 : i32
      %mul3A_101 = arith.constant 16 : i32
      %mul3A_102 = arith.muli %add3A_100, %mul3A_101 : i32
      %add3A_103 = arith.addi %sub3A_44, %mul3A_102 : i32
      %get3A_104 = arith.index_cast %add3A_103 : i32 to index
      %get3A_105 = tpu.vector_load %arg6[%get3A_104] {strides = array<i32>} : memref<6160xi32, #tpu.memory_space<vmem>>, vector<16xi32>,
      %get3A_106 = vector.shape_cast %get3A_105 : vector<16xi32> to vector<16xi32>
      %convert_element_type3A_107 = arith.sitofp %get3A_106 : vector<16xi32> to vector<16xf32>
      %mul3A_108 = vector.broadcast %scan3A : f32 to vector<16xf32>
      %mul3A_109 = arith.mulf %convert_element_type3A_107, %mul3A_108 : vector<16xf32>
      %convert_element_type3A_110 = arith.fptosi %mul3A_109 : vector<16xf32> to vector<16xi32>
      %mul3A_111 = vector.broadcast %scan3A_47 : i32 to vector<16xi32>
      %mul3A_112 = arith.muli %convert_element_type3A_110, %mul3A_111 : vector<16xi32>
      %sub3A_113 = arith.subi %get3A_106, %mul3A_112 : vector<16xi32>
      %lt3A_114 = arith.constant 0 : i32
      %lt3A_115 = vector.broadcast %lt3A_114 : i32 to vector<16xi32>
      %lt3A_116 = arith.cmpi slt, %sub3A_113, %lt3A_115 : vector<16xi32>
      %add3A_117 = vector.broadcast %scan3A_47 : i32 to vector<16xi32>
      %add3A_118 = arith.addi %sub3A_113, %add3A_117 : vector<16xi32>
      %select_n3A_119 = arith.select %lt3A_116, %add3A_118, %sub3A_113 : vector<16xi1>, vector<16xi32>
      %ge3A_120 = vector.broadcast %scan3A_47 : i32 to vector<16xi32>
      %ge3A_121 = arith.cmpi sge, %select_n3A_119, %ge3A_120 : vector<16xi32>
      %sub3A_122 = vector.broadcast %scan3A_47 : i32 to vector<16xi32>
      %sub3A_123 = arith.subi %select_n3A_119, %sub3A_122 : vector<16xi32>
      %select_n3A_124 = arith.select %ge3A_121, %sub3A_123, %select_n3A_119 : vector<16xi1>, vector<16xi32>
      %mul3A_125 = arith.constant 16 : i32
      %mul3A_126 = arith.muli %add3A_100, %mul3A_125 : i32
      %add3A_127 = arith.addi %mul3A_46, %mul3A_126 : i32
      %add3A_128 = vector.broadcast %add3A_127 : i32 to vector<16xi32>
      %add3A_129 = arith.addi %add3A_128, %iota3A : vector<16xi32>
      %lt3A_130 = vector.broadcast %min3A_36 : i32 to vector<16xi32>
      %lt3A_131 = arith.cmpi slt, %add3A_129, %lt3A_130 : vector<16xi32>
      %jit3A_132 = arith.constant 0 : i32
      %broadcast_in_dim3A_133 = vector.broadcast %jit3A_132 : i32 to vector<16xi32>
      %select_n3A_134 = arith.select %lt3A_131, %select_n3A_124, %broadcast_in_dim3A_133 : vector<16xi1>, vector<16xi32>
      %mul3A_135 = arith.constant 16 : i32
      %mul3A_136 = arith.muli %add3A_100, %mul3A_135 : i32
      %swap3A_137 = arith.index_cast %mul3A_136 : i32 to index
      %swap3A_138 = tpu.vector_load %arg7[%swap3A_137] {strides = array<i32>} : memref<2048xi32, #tpu.memory_space<vmem>>, vector<16xi32>,
      %swap3A_139 = vector.shape_cast %swap3A_138 : vector<16xi32> to vector<16xi32>
      %swap3A_140 = vector.shape_cast %select_n3A_134 : vector<16xi32> to vector<16xi32>
      tpu.vector_store %arg7[%swap3A_137], %swap3A_140 {strides = array<i32>} : memref<2048xi32, #tpu.memory_space<vmem>>, vector<16xi32>,
    }
    %scan3A_52 = arith.constant 64 : i32
    %mul3A_53 = arith.constant 4096 : i32
    %mul3A_54 = arith.muli %select_n3A, %mul3A_53 : i32
    %add3A_55 = arith.addi %mul3A_54, %mul3A_46 : i32
    "tpu.region"() ({
      %run_scoped3A = tpu.sem_alloc : memref<!tpu.dma_semaphore, #tpu.memory_space<semaphore_mem>>
      %dma_start3A = tpu.memref_slice %arg4[%add3A_55] : memref<65536xi32, #tpu.memory_space<hbm>> -> memref<2048xi32, #tpu.memory_space<hbm>>
      %dma_start3A_56 = tpu.memref_slice %arg4[%add3A_55] : memref<65536xi32, #tpu.memory_space<hbm>> -> memref<2048xi32, #tpu.memory_space<hbm>>
      tpu.enqueue_dma source(%arg7 : memref<2048xi32, #tpu.memory_space<vmem>>) target(%dma_start3A_56 : memref<2048xi32, #tpu.memory_space<hbm>>) target_semaphore(%run_scoped3A : memref<!tpu.dma_semaphore, #tpu.memory_space<semaphore_mem>>)
      %dma_wait3A = tpu.memref_slice %arg4[%add3A_55] : memref<65536xi32, #tpu.memory_space<hbm>> -> memref<2048xi32, #tpu.memory_space<hbm>>
      %dma_wait3A_57 = tpu.memref_slice %arg4[%add3A_55] : memref<65536xi32, #tpu.memory_space<hbm>> -> memref<2048xi32, #tpu.memory_space<hbm>>
      tpu.wait_dma2 semaphore(%run_scoped3A : memref<!tpu.dma_semaphore, #tpu.memory_space<semaphore_mem>>) src(%arg7 : memref<2048xi32, #tpu.memory_space<vmem>>) dst(%dma_wait3A_57 : memref<2048xi32, #tpu.memory_space<hbm>>)
      tpu.yield
    }) : () -> ()
    return
  }
}

</mosaic_0001>

<sc_bundles>
// kernel: kernel.3.cloned.1.call-start
scs
__scs_entry_jumppad:
0x0: {  	(pc) =	sbr.rel $0x88, $3  }
0x1: {  	(tag) =	ssettag $0x0;
	lr =	simm.s32 $0x1  }
0x2: {  	[smem:$0x3F9F] =	sst lr;
	_ =	strace $0xD0000000  }
0x3: {  	_ = 	snop  }
0x4: {  	_ = 	snop  }
0x5: {  	_ = 	snop  }
0x6: {  	_ = 	snop  }
0x7: {  	_ = 	snop  }
__scs_overlays_trampoline_lowered:
0x8: {  	[smem:$0x3FAE] =	sst s0  }
0x9: {  	[smem:$0x3FAF] =	sst s1  }
0xa: {  	[smem:$0x3FB0] =	sst s2  }
0xb: {  	[smem:$0x3FB1] =	sst s3  }
0xc: {  	[smem:$0x3FB2] =	sst s4  }
0xd: {  	[smem:$0x3FB3] =	sst s5  }
0xe: {  	[smem:$0x3FB4] =	sst s6  }
0xf: {  	[smem:$0x3FB5] =	sst s7  }
0x10: {  	[smem:$0x3FB6] =	sst s8  }
0x11: {  	[smem:$0x3FB7] =	sst s9;
	s0 =	simm.s32 @!p0 $0x0  }
0x12: {  	s1 =	sld [smem:$0x3F9D];
	s0 =	simm.s32 @p0 $0x1  }
0x13: {  	[smem:$0x3FB8] =	sst s0;
	s0 =	simm.s32 @!p1 $0x0  }
0x14: {  	s2 =	sld [smem:$0x3F9C];
	s0 =	simm.s32 @p1 $0x1  }
0x15: {  	[smem:$0x3FB9] =	sst s0;
	s0 =	simm.s32 @!p2 $0x0  }
0x16: {  	s3 =	sld [smem:$0x3FDB];
	s0 =	simm.s32 @p2 $0x1  }
0x17: {  	s4 =	simm.s32 $0x1BF5;
	[smem:$0x3FBB] =	sst s0  }
0x18: {  	s0 =	sld [smem:$0x3F9E];
	_ =	swait.ge [sflag:s4], $0x0  }
0x19: {  	s7 =	sld [smem:$0x3F9F]  }
0x1a: {  	s8 =	sadd.s32 $0xFFFFE003, lr  }
0x1b: {  	s9 =	sadd.s32 $0xFFFFFEF7, lr;
	s5 =	simm.s32 $0xFFFFFFFF;
	p2 =	slt.u32 s8, $0xFFFFF086  }
0x1c: {  	p1 =	slt.u32 s9, $0xF7A;
	s5 =	simm.s32 @!p2 $0x0  }
0x1d: {  	s5 =	simm.s32 @p1 $0x1;
	p0 =	seq.s32 s7, s2  }
0x1e: {  	s7 =	smul.u32 @!p0 $0xF7A, s2;
	p2 =	seq.s32 @!p0 s5, $0x0  }
0x1f: {  	s9 =	smul.u32 $0xF7A, s1;
	s8 =	simm.s32 @!p0 $0x1BF5;
	p2 =	por !p2, p0  }
0x20: {  	[sflag:s8] =	ssyncset.s32 @!p0 $0xFFFFF086;
	s6 =	sadd.s32 @!p0 s3, s7;
	s7 =	simm.s32 @!p0 $0x108  }
0x21: {  	s3 =	sadd.s32 s3, s9;
	s6 =	sadd.s32 @!p0 $0x88, s6;
	s7 =	simm.s32 @p2 $0x1082  }
0x22: {  	[simem:s7], [sflag:s8] =	dma.local @!p0 [hbm:s6], $0xF7A  }
0x23: {  	s9 =	sor.u32 $0xD0000000, s2;
	s6 =	simm.s32 $0x108;
	_ =	swait.ge @!p0 [sflag:s8], $0x0  }
0x24: {  	s3 =	sadd.s32 $0x88, s3;
	s6 =	simm.s32 @!p1 $0x1082;
	[sflag:s4] =	ssyncset.s32 $0xFFFFF086  }
0x25: {  	[simem:s6], [sflag:s4] =	dma.local [hbm:s3], $0xF7A  }
0x26: {  	[smem:$0x3F9F] =	sst s1;
	(tag) =	ssettag s2;
	_ =	strace s9  }
0x27: {  	s1 =	sld [smem:$0x3FAF]  }
0x28: {  	s2 =	sld [smem:$0x3FB0]  }
0x29: {  	s4 =	sld [smem:$0x3FB2]  }
0x2a: {  	p0 =	seq.s32 s5, $0x0;
	s5 =	sld [smem:$0x3FB3]  }
0x2b: {  	s6 =	sld [smem:$0x3FB4]  }
0x2c: {  	s7 =	sld [smem:$0x3FB5]  }
0x2d: {  	s3 =	simm.s32 $0x108;
	s8 =	sld [smem:$0x3FB6]  }
0x2e: {  	s3 =	simm.s32 @!p0 $0x1082;
	s9 =	sld [smem:$0x3FB7]  }
0x2f: {  	lr =	sadd.s32 s0, s3;
	s0 =	sld [smem:$0x3FAE]  }
0x30: {  	s3 =	sld [smem:$0x3FB1]  }
0x31: {  	[smem:$0x3FBA] =	sst s10  }
0x32: {  	s10 =	sld [smem:$0x3FB8];
	_ =	sdelay $0x3  }
0x33: {  	p0 =	seq.s32 s10, $0x1;
	s10 =	sld [smem:$0x3FBA];
	_ =	sdelay $0x3  }
0x34: {  	[smem:$0x3FBA] =	sst s10  }
0x35: {  	s10 =	sld [smem:$0x3FB9];
	_ =	sdelay $0x3  }
0x36: {  	p1 =	seq.s32 s10, $0x1;
	s10 =	sld [smem:$0x3FBA];
	_ =	sdelay $0x3  }
0x37: {  	[smem:$0x3FBA] =	sst s10  }
0x38: {  	s10 =	sld [smem:$0x3FBB]  }
0x39: {  	_ = 	snop;
	(pc) =	sbr.ind lr, $3  }
0x3a: {  	_ = 	snop  }
0x3b: {  	_ = 	snop  }
0x3c: {  	p2 =	seq.s32 s10, $0x1;
	s10 =	sld [smem:$0x3FBA]  }
0x3d: {  	_ =	shalt  }
0x3e: {  	_ =	shalt  }
0x3f: {  	_ =	shalt  }
0x40: {  	_ =	shalt  }
0x41: {  	_ =	shalt  }
0x42: {  	_ =	shalt  }
0x43: {  	_ =	shalt  }
0x44: {  	_ =	shalt  }
0x45: {  	_ =	shalt  }
0x46: {  	_ =	shalt  }
0x47: {  	_ =	shalt  }
0x48: {  	_ =	shalt  }
0x49: {  	_ =	shalt  }
0x4a: {  	_ =	shalt  }
0x4b: {  	_ =	shalt  }
0x4c: {  	_ =	shalt  }
0x4d: {  	_ =	shalt  }
0x4e: {  	_ =	shalt  }
0x4f: {  	_ =	shalt  }
0x50: {  	_ =	shalt  }
0x51: {  	_ =	shalt  }
0x52: {  	_ =	shalt  }
0x53: {  	_ =	shalt  }
0x54: {  	_ =	shalt  }
0x55: {  	_ =	shalt  }
0x56: {  	_ =	shalt  }
0x57: {  	_ =	shalt  }
0x58: {  	_ =	shalt  }
0x59: {  	_ =	shalt  }
0x5a: {  	_ =	shalt  }
0x5b: {  	_ =	shalt  }
0x5c: {  	_ =	shalt  }
0x5d: {  	_ =	shalt  }
0x5e: {  	_ =	shalt  }
0x5f: {  	_ =	shalt  }
0x60: {  	_ =	shalt  }
0x61: {  	_ =	shalt  }
0x62: {  	_ =	shalt  }
0x63: {  	_ =	shalt  }
0x64: {  	_ =	shalt  }
0x65: {  	_ =	shalt  }
0x66: {  	_ =	shalt  }
0x67: {  	_ =	shalt  }
0x68: {  	_ =	shalt  }
0x69: {  	_ =	shalt  }
0x6a: {  	_ =	shalt  }
0x6b: {  	_ =	shalt  }
0x6c: {  	_ =	shalt  }
0x6d: {  	_ =	shalt  }
0x6e: {  	_ =	shalt  }
0x6f: {  	_ =	shalt  }
0x70: {  	_ =	shalt  }
0x71: {  	_ =	shalt  }
0x72: {  	_ =	shalt  }
0x73: {  	_ =	shalt  }
0x74: {  	_ =	shalt  }
0x75: {  	_ =	shalt  }
0x76: {  	_ =	shalt  }
0x77: {  	_ =	shalt  }
0x78: {  	_ =	shalt  }
0x79: {  	_ =	shalt  }
0x7a: {  	_ =	shalt  }
0x7b: {  	_ =	shalt  }
0x7c: {  	_ =	shalt  }
0x7d: {  	_ =	shalt  }
0x7e: {  	_ =	shalt  }
0x7f: {  	_ =	shalt  }
0x80: {  	_ =	shalt  }
0x81: {  	_ =	shalt  }
0x82: {  	_ =	shalt  }
0x83: {  	_ =	shalt  }
0x84: {  	_ =	shalt  }
0x85: {  	_ =	shalt  }
0x86: {  	_ =	shalt  }
0x87: {  	_ =	shalt  }
.Lfunc_end0:
.L_simem_size_0:
called_computation_lowered:
.L_overlay_start_0:
0x88: {  	s2 =	sld [smem:$0x3FD9]  }
0x89: {  	s3 =	sld [smem:$0x3FFE];
	_ =	sdelay $0x1  }
0x8a: {  	s1 =	srdreg.scid  }
0x8b: {  	s0 =	sand.u32 $0x1, s1  }
0x8c: {  	s17 =	sshll.u32 s0, $0xA;
	s2 =	sadd.s32 s3, s2  }
0x8d: {  	s2 =	sadd.s32 s2, s17  }
0x8e: {  	[smem:$0x3FC6] =	sst s2  }
0x8f: {  	_ = 	snop  }
0x90: {  	s2 =	sld [smem:$0x3FC9]  }
0x91: {  	s18 =	sld [smem:$0x3FC8];
	(tm) =	ssettm $0x1  }
0x92: {  	s4 =	sld [smem:$0x3FFB];
	_ =	sdelay $0x3  }
0x93: {  	_ =	strace s4  }
0x94: {  	s4 =	sld [smem:$0x3FFC];
	_ =	sdelay $0x3  }
0x95: {  	_ =	strace s4  }
0x96: {  	s4 =	sld [smem:$0x3FFD];
	_ =	sdelay $0x3  }
0x97: {  	_ =	strace s4  }
0x98: {  	_ =	strace $0x8FFFFFFF  }
0x99: {  	s19 =	sld [smem:$0x3FDB];
	_ =	sdelay $0x1  }
0x9a: {  	s5 =	simm.s32 $_scs_section_size  }
0x9b: {  	s6 =	simm.s32 $_size__tile_overlayer_lowered;
	s7 =	simm.s32 $_tile_overlayer_lowered  }
0x9c: {  	s22 =	simm.s32 $0x1BFF;
	s21 =	sshll.u32 s7, $0x1;
	s4 =	sadd.s32 s5, s19  }
0x9d: {  	s8 =	simm.s32 $0x0;
	s20 =	sshll.u32 s6, $0x1;
	s6 =	sadd.s32 s21, s4  }
0x9e: {  	[timem:s8], [sflag:s22] =	dma.local [hbm:s6], s20  }
0x9f: {  	_ =	swait.ge [sflag:s22], s20  }
0xa0: {  	s5 =	ssub.s32 $0x0, s20;
	[sflag:s22] =	ssyncset.done $0x0  }
0xa1: {  	[sflag:s22] =	ssyncadd.s32 s5;
	_ =	sdelay $0x1  }
0xa2: {  	s23 =	simm.s32 $0x1B8B  }
0xa3: {  	_ =	swait.ge [sflag:s23], $0x1  }
0xa4: {  	[sflag:s23] =	ssyncset.done $0x0  }
0xa5: {  	s25 =	simm.s32 $0x1B8E;
	s24 =	sld [smem:$0x3FFE];
	[sflag:s23] =	ssyncadd.s32 $0xFFFFFFFF  }
0xa6: {  	s26 =	simm.s32 $execute0_lowered;
	[smem:$0x3FD2] =	sst s25  }
0xa7: {  	s6 =	sshll.u32 s26, $0x1;
	_ =	strace $0x80000046;
	[dreg:$0x1] =	wrdreg $0xFFFFFFFF  }
0xa8: {  	s28 =	simm.s32 $_size_execute0_lowered;
	s4 =	sadd.s32 s4, s6;
	[dreg:$0x0] =	wrdreg $0x0  }
0xa9: {  	s6 =	sshll.u32 s28, $0x1;
	[dreg:$0x2] =	wrdreg s4  }
0xaa: {  	[dreg:$0x3] =	wrdreg s6  }
0xab: {  	[dreg:$0x4] =	wrdreg $0xC0  }
0xac: {  	_ =	task [dreg:s8], $0x5FFFF  }
0xad: {  	[dreg:$0x1] =	wrdreg $0xFFFFFFFF  }
0xae: {  	[dreg:$0x0] =	wrdreg $0x60  }
0xaf: {  	[dreg:$0x2] =	wrdreg s2  }
0xb0: {  	[dreg:$0x3] =	wrdreg s18  }
0xb1: {  	[dreg:$0x4] =	wrdreg s24  }
0xb2: {  	[dreg:$0x5] =	wrdreg $0x9  }
0xb3: {  	_ =	task.clear_ibuf [dreg:s8], $0x6FFFF;
	_ =	strace $0x90000046  }
0xb4: {  	s29 =	simm.s32 $0x9;
	_ =	strace $0x80000048  }
0xb5: {  	_ =	swait.ge [sflag:s29], $0x1  }
0xb6: {  	[sflag:s29] =	ssyncadd.s32 $0xFFFFFFFF  }
0xb7: {  	_ =	strace $0x90000048  }
0xb8: {  	_ =	sfence  }
0xb9: {  	s30 =	sld [smem:$0x0];
	_ =	sdelay $0x2  }
0xba: {  	s31 =	sshll.u32 s1, $0xD;
	s1 =	sshrl.u32 s1, $0x2  }
0xbb: {  	s3 =	sand.u32 $0x4000, s31;
	s1 =	sadd.s32 s1, s30  }
0xbc: {  	s0 =	sor.u32 s3, s0;
	s1 =	sshll.u32 s1, $0x11  }
0xbd: {  	s0 =	sor.u32 s1, s0  }
0xbe: {  	s0 =	sadd.s32 $0x8F2B, s0  }
0xbf: {  	[sflag:s0] =	ssyncadd.remote.s32 $0x1  }
0xc0: {  	_ =	sfence.sel $0xFFFF  }
0xc1: {  	[dreg:$0x0] =	wrdreg $0xFFFFFFFF;
	(pc) =	sbr.abs _section_cstart, $3  }
0xc2: {  	[dreg:$0x1] =	wrdreg $0xFFFFFFFF  }
0xc3: {  	_ =	task.clear_ibuf [dreg:s8], $0x2FFFF;
	_ =	strace $0x9FFFFFFF  }
0xc4: {  	(tm) =	ssettm $0x7FFFFFFF  }
0xc5: {  	_ =	shalt  }
tec
execute0_lowered:
.L_overlay_start_1:
0x0: {  	(tag) =	ssettag $0x1  }
0x1: {  	s0 =	srdreg.scid  }
0x2: {  	s7 =	sand.u32 $0x1, s0  }
0x3: {  	s0 =	stileid.u32;
	s1 =	sshll.u32 s7, $0x4  }
0x4: {  	s3 =	rddreg [dreg:$0x1];
	s30 =	sand.u32 $0x1, s0;
	s2 =	sor.u32 s0, s1  }
0x5: {  	s4 =	simm.s32 $0x1;
	p1 =	seq.s32 s30, $0x1;
	p0 =	seq.s32 s2, $0x0  }
0x6: {  	s8 =	rddreg [dreg:$0x2];
	s12 =	simm.s32 $0x1900;
	p0 =	por !p0, !p1  }
0x7: {  	s13 =	simm.s32 $0x0;
	s6 =	sshll.u32 s0, $0xB;
	p0 =	por !p0, !p0  }
0x8: {  	s10 =	ssub.s32 $0x2, s7;
	s5 =	sshrl.u32 s2, $0x1;
	s4 =	simm.s32 @!p0 $0x0  }
0x9: {  	s7 =	simm.s32 $0x1;
	s1 =	rddreg [dreg:$0x0];
	s4 =	ssub.s32 s5, s4  }
0xa: {  	s6 =	sand.u32 $0x800, s6;
	s11 =	sshrl.u32 s10, $0x1;
	s9 =	sshll.u32 s4, $0xC  }
0xb: {  	s2 =	rddreg [dreg:$0x3];
	s31 =	ssub.s32 s10, s11;
	s9 =	sor.u32 s6, s9  }
0xc: {  	s10 =	sor.u32 $0x10, s6;
	s5 =	simm.s32 $0x0;
	s9 =	sshrl.u32 s9, $0x3  }
0xd: {  	s11 =	simm.s32 $0x80;
	[smem:$0x7FF] =	sst s5;
	s8 =	sadd.s32 s9, s8  }
0xe: {  	v0 =	vlaneseq.u32;
	_ =	strace $0x80000047;
	s9 =	smax.u32 s31, $0x1;
	s8 =	sadd.s32 $0x400, s8  }
.LBB2_1:
0xf: {  	[tilespmem:s5], [sflag:$0x1] =	stream.linear.gather [hbm4b:s3+s5], $0x11, $0x38;
	[tilespmem:$0x2100] =	vst v63  }
0x10: {  	_ =	swait.ge [sflag:s7], $0x11  }
0x11: {  	[sflag:s7] =	ssyncset.done $0x0  }
0x12: {  	[sflag:s7] =	ssyncadd.s32 $0xFFFFFFEF  }
0x13: {  	v1 =	vld [tilespmem:s4+$0x0];
	_ =	sdelay $0x4  }
0x14: {  	(v2sf) =	vpush v1, $0x0;
	_ =	sdelay $0x8  }
0x15: {  	(v2sf) =	vpush v1, $0x1;
	_ =	sdelay $0x5  }
0x16: {  	s14 =	spop (v2sf)  }
0x17: {  	s15 =	sadd.s32 s6, s14  }
0x18: {  	s16 =	sand.u32 $0xFFFFFFF8, s15  }
0x19: {  	p0 =	slt.s32 s16, $0x77F8  }
0x1a: {  	s16 =	simm.s32 @!p0 $0x77F8  }
0x1b: {  	s15 =	ssub.s32 s15, s16  }
0x1c: {  	s15 =	sshll.u32 s15, $0x2  }
0x1d: {  	s15 =	sshra.s32 s15, $0x2  }
0x1e: {  	s16 =	sshrl.u32 s16, $0x3;
	s15 =	sadd.s32 $0x90, s15  }
0x1f: {  	s30 =	spop (v2sf);
	s16 =	sadd.s32 s1, s16;
	v1 =	vmov s15  }
0x20: {  	[tilespmem:s11], [sflag:$0x1] =	stream.linear.gather [hbm4b:s16+s5], $0x808, $0x38;
	[tilespmem:$0x2100] =	vst v63  }
0x21: {  	_ =	swait.ge [sflag:s7], $0x808  }
0x22: {  	[sflag:s7] =	ssyncset.done $0x0  }
0x23: {  	s17 =	simm.s32 $0x0;
	[sflag:s7] =	ssyncadd.s32 $0xFFFFF7F8  }
0x24: {  	v2 =	vld.idx.msk [tilespmem:v1+s17+$0xFFFFFFF0 ss:$0x1], $0xffff;
	_ =	sdelay $0x4  }
0x25: {  	v3 =	vcvt.s32.f32 v2;
	_ =	sdelay $0x1  }
0x26: {  	v3 =	vmul.f32 $9.999999740e-06, v3;
	_ =	sdelay $0x1  }
0x27: {  	v3 =	vtrunc.f32 v3  }
0x28: {  	v3 =	vcvt.f32.s32 v3;
	_ =	sdelay $0x1  }
0x29: {  	v3 =	vmul.u32 $0xFFFE7960, v3;
	_ =	sdelay $0x1  }
0x2a: {  	s14 =	ssub.s32 s30, s14;
	v3 =	vadd.s32 v2, v3  }
0x2b: {  	s31 =	sadd.s32 $0xFFFFFFF0, s10;
	p0 =	slt.s32 s14, $0x1000;
	vm0 =	vlt.s32 v3, $0x0;
	v4 =	vadd.s32 $0x186A0, v3  }
0x2c: {  	v5 =	vor.u32 s31, v0;
	s14 =	simm.s32 @!p0 $0x1000;
	v3 =	vsel vm0, v4, v3  }
0x2d: {  	v2 =	vmov s14;
	vm0 =	vgt.s32 v3, $0x1869F;
	v4 =	vadd.s32 $0xFFFE7960, v3  }
0x2e: {  	vm13 =	vlt.s32 v5, v2;
	v3 =	vsel vm0, v4, v3  }
0x2f: {  	v3 =	vnsel vm13, $0x0, v3  }
0x30: {  	[tilespmem:s17+$0x1900] =	vst v3  }
0x31: {  	v3 =	vld.idx.msk [tilespmem:v1+s17+$0x0 ss:$0x1], $0xffff;
	_ =	sdelay $0x4  }
0x32: {  	v62 =	vcvt.s32.f32 v3;
	_ =	sdelay $0x1  }
0x33: {  	v4 =	vmul.f32 $9.999999740e-06, v62;
	_ =	sdelay $0x1  }
0x34: {  	v4 =	vtrunc.f32 v4  }
0x35: {  	v4 =	vcvt.f32.s32 v4;
	_ =	sdelay $0x1  }
0x36: {  	v4 =	vmul.u32 $0xFFFE7960, v4;
	_ =	sdelay $0x1  }
0x37: {  	v3 =	vadd.s32 v3, v4  }
0x38: {  	vm14 =	vlt.s32 v3, $0x0;
	v4 =	vadd.s32 $0x186A0, v3  }
0x39: {  	v3 =	vsel vm14, v4, v3  }
0x3a: {  	v63 =	vor.u32 s10, v0;
	vm0 =	vgt.s32 v3, $0x1869F;
	v4 =	vadd.s32 $0xFFFE7960, v3  }
0x3b: {  	vm15 =	vlt.s32 v63, v2;
	v3 =	vsel vm0, v4, v3  }
0x3c: {  	v3 =	vnsel vm15, $0x0, v3  }
0x3d: {  	s16 =	simm.s32 $0x100;
	s15 =	smov.u32 s10;
	s14 =	simm.s32 $0x20;
	[tilespmem:s17+$0x1910] =	vst v3  }
.LBB2_2:
0x3e: {  	p0 =	sne.s32 s16, $0x1F80;
	v3 =	vld.idx.msk [tilespmem:v1+s14+$0xFFFFFFF0 ss:$0x1], $0xffff;
	_ =	sdelay $0x5  }
0x3f: {  	v4 =	vcvt.s32.f32 v3;
	_ =	sdelay $0x1  }
0x40: {  	v4 =	vmul.f32 $9.999999740e-06, v4;
	_ =	sdelay $0x1  }
0x41: {  	v4 =	vtrunc.f32 v4  }
0x42: {  	v4 =	vcvt.f32.s32 v4;
	_ =	sdelay $0x1  }
0x43: {  	v4 =	vmul.u32 $0xFFFE7960, v4;
	_ =	sdelay $0x1  }
0x44: {  	v3 =	vadd.s32 v3, v4  }
0x45: {  	s15 =	sadd.s32 $0x20, s15;
	vm0 =	vlt.s32 v3, $0x0;
	v4 =	vadd.s32 $0x186A0, v3  }
0x46: {  	s17 =	sadd.s32 $0xFFFFFFF0, s15;
	v3 =	vsel vm0, v4, v3  }
0x47: {  	v5 =	vor.u32 s17, v0;
	vm0 =	vgt.s32 v3, $0x1869F;
	v4 =	vadd.s32 $0xFFFE7960, v3  }
0x48: {  	v3 =	vsel vm0, v4, v3;
	vm0 =	vlt.s32 v5, v2  }
0x49: {  	v3 =	vnsel vm0, $0x0, v3  }
0x4a: {  	[tilespmem:s14+$0x1900] =	vst v3  }
0x4b: {  	v3 =	vld.idx.msk [tilespmem:v1+s14+$0x0 ss:$0x1], $0xffff;
	_ =	sdelay $0x5  }
0x4c: {  	v4 =	vcvt.s32.f32 v3;
	_ =	sdelay $0x1  }
0x4d: {  	v4 =	vmul.f32 $9.999999740e-06, v4;
	_ =	sdelay $0x1  }
0x4e: {  	v4 =	vtrunc.f32 v4  }
0x4f: {  	v4 =	vcvt.f32.s32 v4;
	_ =	sdelay $0x1  }
0x50: {  	v4 =	vmul.u32 $0xFFFE7960, v4;
	_ =	sdelay $0x1  }
0x51: {  	v3 =	vadd.s32 v3, v4  }
0x52: {  	vm0 =	vlt.s32 v3, $0x0;
	v4 =	vadd.s32 $0x186A0, v3  }
.Ltmp0:
0x53: {  	v3 =	vsel vm0, v4, v3;
	(pc) =	sbr.rel @p0 .LBB2_2-.Ltmp0, $4  }
0x54: {  	v5 =	vor.u32 s15, v0;
	vm0 =	vgt.s32 v3, $0x1869F;
	v4 =	vadd.s32 $0xFFFE7960, v3  }
0x55: {  	v3 =	vsel vm0, v4, v3;
	vm0 =	vlt.s32 v5, v2  }
0x56: {  	v3 =	vnsel vm0, $0x0, v3  }
0x57: {  	[tilespmem:s14+$0x1910] =	vst v3;
	s14 =	sshra.s32 s16, $0x2;
	s16 =	sadd.s32 $0x80, s16  }
0x58: {  	_ =	sdelay $0x3  }
0x59: {  	v3 =	vld.idx.msk [tilespmem:v1+s14+$0xFFFFFFF0 ss:$0x1], $0xffff;
	_ =	sdelay $0x4  }
0x5a: {  	v4 =	vcvt.s32.f32 v3;
	_ =	sdelay $0x1  }
0x5b: {  	v4 =	vmul.f32 $9.999999740e-06, v4;
	_ =	sdelay $0x1  }
0x5c: {  	v4 =	vtrunc.f32 v4  }
0x5d: {  	v4 =	vcvt.f32.s32 v4;
	_ =	sdelay $0x1  }
0x5e: {  	v4 =	vmul.u32 $0xFFFE7960, v4;
	_ =	sdelay $0x1  }
0x5f: {  	v3 =	vadd.s32 v3, v4  }
0x60: {  	s15 =	sadd.s32 $0x20, s15;
	vm0 =	vlt.s32 v3, $0x0;
	v4 =	vadd.s32 $0x186A0, v3  }
0x61: {  	s16 =	sadd.s32 $0xFFFFFFF0, s15;
	v3 =	vsel vm0, v4, v3  }
0x62: {  	v5 =	vor.u32 s16, v0;
	vm0 =	vgt.s32 v3, $0x1869F;
	v4 =	vadd.s32 $0xFFFE7960, v3  }
0x63: {  	vm13 =	vlt.s32 v5, v2;
	v3 =	vsel vm0, v4, v3  }
0x64: {  	v3 =	vnsel vm13, $0x0, v3  }
0x65: {  	[tilespmem:s14+$0x1900] =	vst v3  }
0x66: {  	v1 =	vld.idx.msk [tilespmem:v1+s14+$0x0 ss:$0x1], $0xffff;
	_ =	sdelay $0x4  }
0x67: {  	v3 =	vcvt.s32.f32 v1;
	_ =	sdelay $0x1  }
0x68: {  	v3 =	vmul.f32 $9.999999740e-06, v3;
	_ =	sdelay $0x1  }
0x69: {  	v3 =	vtrunc.f32 v3  }
0x6a: {  	v3 =	vcvt.f32.s32 v3;
	_ =	sdelay $0x1  }
0x6b: {  	v3 =	vmul.u32 $0xFFFE7960, v3;
	_ =	sdelay $0x1  }
0x6c: {  	v1 =	vadd.s32 v1, v3  }
0x6d: {  	vm14 =	vlt.s32 v1, $0x0;
	v3 =	vadd.s32 $0x186A0, v1  }
0x6e: {  	v1 =	vsel vm14, v3, v1  }
0x6f: {  	v63 =	vor.u32 s15, v0;
	vm0 =	vgt.s32 v1, $0x1869F;
	v3 =	vadd.s32 $0xFFFE7960, v1  }
0x70: {  	s13 =	sadd.s32 $0x1, s13;
	vm15 =	vlt.s32 v63, v2;
	v1 =	vsel vm0, v3, v1  }
0x71: {  	p0 =	sne.s32 s13, s9;
	v1 =	vnsel vm15, $0x0, v1  }
.Ltmp1:
0x72: {  	[tilespmem:s14+$0x1910] =	vst v1;
	(pc) =	sbr.rel @p0 .LBB2_1-.Ltmp1, $4  }
0x73: {  	[hbm4b:s8+s5] =	stream.linear.scatter [tilespmem:s12], [sflag:$0x1], $0x800, $0x38;
	[tilespmem:$0x2100] =	vst v63  }
0x74: {  	_ =	swait.ge [sflag:s7], $0x800  }
0x75: {  	[sflag:s7] =	ssyncset.done $0x0  }
0x76: {  	[sflag:s7] =	ssyncadd.s32 $0xFFFFF800  }
0x77: {  	_ =	sfence.sel $0x180000  }
0x78: {  	[bflag:$0x0] =	sbarrier.arrive $0xFFFF  }
0x79: {  	p0 =	sne.s32 s0, $0x0;
	_ =	strace $0x90000047  }
0x7a: {  	s0 =	sadd.s32 @!p0 $0x100000, s2;
	[bflag:$0x2] =	sbarrier.arrive $0xFFFF  }
0x7b: {  	[sflag:s0] =	ssyncadd.tile.s32 @!p0 $0x1;
	_ =	shalt  }
.Lfunc_end2:
_tile_overlayer_lowered:
.L_overlay_start_2:
0x7c: {  	(tag) =	ssettag $0x2  }
0x7d: {  	s0 =	rddreg [dreg:$0x0];
	s2 =	stileid.u32  }
0x7e: {  	s1 =	rddreg [dreg:$0x1];
	p0 =	sne.s32 s2, $0x0  }
0x7f: {  	s3 =	rddreg [dreg:$0x2];
	[bflag:$0x3] =	sbarrier.arrive $0xFFFF;
	s2 =	simm.s32 @!p0 $0x1C01  }
0x80: {  	[timem:s3], [sflag:s2] =	dma.local @!p0 [hbm:s0], s1  }
0x81: {  	s0 =	simm.s32 @!p0 $0x1  }
0x82: {  	_ =	swait.ge @!p0 [sflag:s0], s1  }
0x83: {  	s1 =	ssub.s32 @!p0 $0x0, s1;
	[sflag:s0] =	ssyncset.done @!p0 $0x0  }
0x84: {  	[sflag:s0] =	ssyncadd.s32 @!p0 s1  }
0x85: {  	[bflag:$0x3] =	sbarrier.arrive $0xFFFF  }
0x86: {  	_ =	shalt  }

</sc_bundles>
